<compile_context>
chip_gen: v7x
topology: tpu7x:2x2x1
jax: 0.10.2.dev20260603
libtpu: 0.0.44.dev20260713+nightly
codegen_flags: <defaults>
</compile_context>

<pallas_src>
import jax
import jax.numpy as jnp
from jax import lax
from jax.experimental import pallas as pl
from jax.experimental.pallas import tpu as pltpu
from jax.experimental.pallas import tpu_sc as plsc

D = 64
TROWS = 257
LQ = 2048
LK = 2048
E_ROWS = 4096
CHUNK = 256
HALF = 1024
SEG = HALF + 64
Q_PER_TILE = 64
NLANE = 16
BAND_LO = E_ROWS // 2 - 129


def _sc_body(table_hbm, out_hbm, e_hbm, table_v, seg_v, sem):
    c = lax.axis_index("c")
    s = lax.axis_index("s")

    pltpu.sync_copy(table_hbm, table_v.at[pl.ds(0, TROWS)])
    base_d = s * CHUNK

    def build_row(r, _):
        src = jnp.clip(base_d + r - BAND_LO, 0, TROWS - 1)
        for j in range(D // NLANE):
            seg_v[r, pl.ds(j * NLANE, NLANE)] = table_v[src, pl.ds(j * NLANE, NLANE)]
        return 0

    lax.fori_loop(0, CHUNK, build_row, 0)
    pltpu.sync_copy(seg_v.at[pl.ds(0, CHUNK)], e_hbm.at[c, pl.ds(base_d, CHUNK)])
    plsc.subcore_barrier()

    q0 = c * (LQ // 2) + s * Q_PER_TILE
    for h in range(2):
        d0 = h * HALF + (LQ - Q_PER_TILE) - q0
        pltpu.sync_copy(e_hbm.at[c, pl.ds(d0, SEG)], seg_v)

        def fire_row(i, _):
            pltpu.async_copy(seg_v.at[pl.ds(Q_PER_TILE - 1 - i, HALF)],
                             out_hbm.at[q0 + i, h], sem)
            return 0

        lax.fori_loop(0, Q_PER_TILE, fire_row, 0)

        def drain_row(i, _):
            pltpu.make_async_copy(seg_v.at[pl.ds(0, HALF)],
                                  out_hbm.at[q0, h], sem).wait()
            return 0

        lax.fori_loop(0, Q_PER_TILE, drain_row, 0)


def kernel(length_q, length_k, embeddings_table):
    mesh = plsc.VectorSubcoreMesh(core_axis_name="c", subcore_axis_name="s")
    call = pl.kernel(
        _sc_body,
        out_type=(
            jax.ShapeDtypeStruct((LQ, 2, HALF, D), jnp.float32),
            jax.ShapeDtypeStruct((2, E_ROWS, D), jnp.float32),
        ),
        mesh=mesh,
        scratch_types=[
            pltpu.VMEM((TROWS + 7, D), jnp.float32),
            pltpu.VMEM((SEG, D), jnp.float32),
            pltpu.SemaphoreType.DMA,
        ],
        compiler_params=pltpu.CompilerParams(use_tc_tiling_on_sc=False),
    )
    out, _ = call(embeddings_table)
    return out.reshape(LQ, LK, D)

# --- scband reference (transcript-rebuilt; emitter-appended) ---
"""Pipeline reference for scband-relative-position-65180423684935 (READ-ONLY COPY).

The authoritative reference and input builder live on the scoring server;
editing this copy changes nothing except your own understanding.
"""

import jax, jax.numpy as jnp
import numpy as np

NUM_UNITS = 64
MAX_REL = 128
LENGTH_Q_STATIC = 2048
LENGTH_K_STATIC = 2048

def setup_inputs(seed: int = 0) -> dict:
    key = jax.random.key(seed)
    # trunc_normal_(std=0.02) approximated by normal * 0.02 (values far in the tail are negligible)
    embeddings_table = jax.random.normal(key, (MAX_REL * 2 + 1, NUM_UNITS), dtype=jnp.float32) * 0.02
    return {"length_q": 2048, "length_k": 2048, "embeddings_table": embeddings_table}

def reference(length_q, length_k, embeddings_table):
    range_vec_q = jnp.arange(LENGTH_Q_STATIC) + 0 * length_q
    range_vec_k = jnp.arange(LENGTH_K_STATIC) + 0 * length_k
    distance_mat = range_vec_k[None, :] - range_vec_q[:, None]
    distance_mat_clipped = jnp.clip(distance_mat, -MAX_REL, MAX_REL)
    final_mat = (distance_mat_clipped + MAX_REL).astype(jnp.int32)
    embeddings = jnp.take(embeddings_table, final_mat, axis=0)
    return embeddings

if __name__ == "__main__":
    import jax
    _d = setup_inputs()
    print(jax.jit(kernel)(*tuple(_d.values())))

</pallas_src>

<mosaic_0001>
#map = affine_map<(d0, d1) -> (0, 0)>
#map1 = affine_map<(d0, d1) -> (0, 0, 0, 0)>
#map2 = affine_map<(d0, d1) -> (0, 0, 0)>
module attributes {stable_mosaic.version = 14 : i64} {
  func.func @_sc_body(%arg0: i32, %arg1: i32, %arg2: memref<257x64xf32, #tpu.memory_space<hbm>>, %arg3: memref<2048x2x1024x64xf32, #tpu.memory_space<hbm>>, %arg4: memref<2x4096x64xf32, #tpu.memory_space<hbm>>, %arg5: memref<264x64xf32, #tpu.memory_space<vmem>>, %arg6: memref<1088x64xf32, #tpu.memory_space<vmem>>, %arg7: memref<!tpu.dma_semaphore, #tpu.memory_space<semaphore_mem>>) attributes {dimension_semantics = [#tpu.dimension_semantics<core_parallel>, #tpu.dimension_semantics<subcore_parallel>], iteration_bounds = array<i64: 2, 16>, scalar_prefetch = 0 : i64, scratch_operands = 3 : i64, tpu.core_type = #tpu.core_type<sc_vector_subcore>, window_params = [{transform_indices = #map}, {transform_indices = #map1}, {transform_indices = #map2}]} {
    "tpu.region"() ({
      %run_scoped3A = tpu.sem_alloc : memref<!tpu.dma_semaphore, #tpu.memory_space<semaphore_mem>>
      %dma_start3A = arith.constant 0 : i32
      %dma_start3A_42 = arith.constant 0 : i32
      %dma_start3A_43 = tpu.memref_slice %arg5[%dma_start3A, %dma_start3A_42] : memref<264x64xf32, #tpu.memory_space<vmem>> -> memref<257x64xf32, #tpu.memory_space<vmem>>
      %dma_start3A_44 = arith.constant 0 : i32
      %dma_start3A_45 = arith.constant 0 : i32
      %dma_start3A_46 = tpu.memref_slice %arg5[%dma_start3A_44, %dma_start3A_45] : memref<264x64xf32, #tpu.memory_space<vmem>> -> memref<257x64xf32, #tpu.memory_space<vmem>>
      tpu.enqueue_dma source(%arg2 : memref<257x64xf32, #tpu.memory_space<hbm>>) target(%dma_start3A_46 : memref<257x64xf32, #tpu.memory_space<vmem>>) target_semaphore(%run_scoped3A : memref<!tpu.dma_semaphore, #tpu.memory_space<semaphore_mem>>)
      %dma_wait3A = arith.constant 0 : i32
      %dma_wait3A_47 = arith.constant 0 : i32
      %dma_wait3A_48 = tpu.memref_slice %arg5[%dma_wait3A, %dma_wait3A_47] : memref<264x64xf32, #tpu.memory_space<vmem>> -> memref<257x64xf32, #tpu.memory_space<vmem>>
      %dma_wait3A_49 = arith.constant 0 : i32
      %dma_wait3A_50 = arith.constant 0 : i32
      %dma_wait3A_51 = tpu.memref_slice %arg5[%dma_wait3A_49, %dma_wait3A_50] : memref<264x64xf32, #tpu.memory_space<vmem>> -> memref<257x64xf32, #tpu.memory_space<vmem>>
      tpu.wait_dma2 semaphore(%run_scoped3A : memref<!tpu.dma_semaphore, #tpu.memory_space<semaphore_mem>>) src(%arg2 : memref<257x64xf32, #tpu.memory_space<hbm>>) dst(%dma_wait3A_51 : memref<257x64xf32, #tpu.memory_space<vmem>>)
      tpu.yield
    }) : () -> ()
    %mul3A = arith.constant 256 : i32
    %mul3A_0 = arith.muli %arg1, %mul3A : i32
    %scan3A = arith.constant 0 : i32
    %scan3A_1 = arith.constant 0 : i32
    %scan3A_2 = arith.constant 256 : i32
    %scan3A_3 = arith.addi %scan3A_1, %scan3A_2 : i32
    %scan3A_4 = arith.constant 1 : i32
    %scan3A_5 = scf.for %scan3A_42 = %scan3A_1 to %scan3A_3 step %scan3A_4 iter_args(%scan3A_43 = %scan3A) -> (i32)  : i32 {
      %add3A_44 = arith.addi %mul3A_0, %scan3A_42 : i32
      %sub3A_45 = arith.constant 1919 : i32
      %sub3A_46 = arith.subi %add3A_44, %sub3A_45 : i32
      %jit3A = arith.constant 0 : i32
      %jit3A_47 = arith.constant 256 : i32
      %max3A = arith.maxsi %jit3A, %sub3A_46 : i32
      %min3A = arith.minsi %jit3A_47, %max3A : i32
      %get3A = arith.index_cast %min3A : i32 to index
      %get3A_48 = arith.constant 0 : index
      %get3A_49 = tpu.vector_load %arg5[%get3A, %get3A_48] {strides = array<i32>} : memref<264x64xf32, #tpu.memory_space<vmem>>, vector<1x16xf32>,
      %get3A_50 = vector.shape_cast %get3A_49 : vector<1x16xf32> to vector<16xf32>
      %swap3A = arith.index_cast %scan3A_42 : i32 to index
      %swap3A_51 = arith.constant 0 : index
      %swap3A_52 = tpu.vector_load %arg6[%swap3A, %swap3A_51] {strides = array<i32>} : memref<1088x64xf32, #tpu.memory_space<vmem>>, vector<1x16xf32>,
      %swap3A_53 = vector.shape_cast %swap3A_52 : vector<1x16xf32> to vector<16xf32>
      %swap3A_54 = vector.shape_cast %get3A_50 : vector<16xf32> to vector<1x16xf32>
      tpu.vector_store %arg6[%swap3A, %swap3A_51], %swap3A_54 {strides = array<i32>} : memref<1088x64xf32, #tpu.memory_space<vmem>>, vector<1x16xf32>,
      %get3A_55 = arith.index_cast %min3A : i32 to index
      %get3A_56 = arith.constant 16 : index
      %get3A_57 = tpu.vector_load %arg5[%get3A_55, %get3A_56] {strides = array<i32>} : memref<264x64xf32, #tpu.memory_space<vmem>>, vector<1x16xf32>,
      %get3A_58 = vector.shape_cast %get3A_57 : vector<1x16xf32> to vector<16xf32>
      %swap3A_59 = arith.index_cast %scan3A_42 : i32 to index
      %swap3A_60 = arith.constant 16 : index
      %swap3A_61 = tpu.vector_load %arg6[%swap3A_59, %swap3A_60] {strides = array<i32>} : memref<1088x64xf32, #tpu.memory_space<vmem>>, vector<1x16xf32>,
      %swap3A_62 = vector.shape_cast %swap3A_61 : vector<1x16xf32> to vector<16xf32>
      %swap3A_63 = vector.shape_cast %get3A_58 : vector<16xf32> to vector<1x16xf32>
      tpu.vector_store %arg6[%swap3A_59, %swap3A_60], %swap3A_63 {strides = array<i32>} : memref<1088x64xf32, #tpu.memory_space<vmem>>, vector<1x16xf32>,
      %get3A_64 = arith.index_cast %min3A : i32 to index
      %get3A_65 = arith.constant 32 : index
      %get3A_66 = tpu.vector_load %arg5[%get3A_64, %get3A_65] {strides = array<i32>} : memref<264x64xf32, #tpu.memory_space<vmem>>, vector<1x16xf32>,
      %get3A_67 = vector.shape_cast %get3A_66 : vector<1x16xf32> to vector<16xf32>
      %swap3A_68 = arith.index_cast %scan3A_42 : i32 to index
      %swap3A_69 = arith.constant 32 : index
      %swap3A_70 = tpu.vector_load %arg6[%swap3A_68, %swap3A_69] {strides = array<i32>} : memref<1088x64xf32, #tpu.memory_space<vmem>>, vector<1x16xf32>,
      %swap3A_71 = vector.shape_cast %swap3A_70 : vector<1x16xf32> to vector<16xf32>
      %swap3A_72 = vector.shape_cast %get3A_67 : vector<16xf32> to vector<1x16xf32>
      tpu.vector_store %arg6[%swap3A_68, %swap3A_69], %swap3A_72 {strides = array<i32>} : memref<1088x64xf32, #tpu.memory_space<vmem>>, vector<1x16xf32>,
      %get3A_73 = arith.index_cast %min3A : i32 to index
      %get3A_74 = arith.constant 48 : index
      %get3A_75 = tpu.vector_load %arg5[%get3A_73, %get3A_74] {strides = array<i32>} : memref<264x64xf32, #tpu.memory_space<vmem>>, vector<1x16xf32>,
      %get3A_76 = vector.shape_cast %get3A_75 : vector<1x16xf32> to vector<16xf32>
      %swap3A_77 = arith.index_cast %scan3A_42 : i32 to index
      %swap3A_78 = arith.constant 48 : index
      %swap3A_79 = tpu.vector_load %arg6[%swap3A_77, %swap3A_78] {strides = array<i32>} : memref<1088x64xf32, #tpu.memory_space<vmem>>, vector<1x16xf32>,
      %swap3A_80 = vector.shape_cast %swap3A_79 : vector<1x16xf32> to vector<16xf32>
      %swap3A_81 = vector.shape_cast %get3A_76 : vector<16xf32> to vector<1x16xf32>
      tpu.vector_store %arg6[%swap3A_77, %swap3A_78], %swap3A_81 {strides = array<i32>} : memref<1088x64xf32, #tpu.memory_space<vmem>>, vector<1x16xf32>,
      %scan3A_82 = arith.constant 0 : i32
      scf.yield %scan3A_82 : i32
    }
    %scan3A_6 = arith.constant 256 : i32
    "tpu.region"() ({
      %run_scoped3A = tpu.sem_alloc : memref<!tpu.dma_semaphore, #tpu.memory_space<semaphore_mem>>
      %dma_start3A = arith.constant 0 : i32
      %dma_start3A_42 = arith.constant 0 : i32
      %dma_start3A_43 = tpu.memref_slice %arg6[%dma_start3A, %dma_start3A_42] : memref<1088x64xf32, #tpu.memory_space<vmem>> -> memref<256x64xf32, #tpu.memory_space<vmem>>
      %dma_start3A_44 = arith.constant 0 : i32
      %dma_start3A_45 = tpu.memref_slice %arg4[%arg0, %mul3A_0, %dma_start3A_44] : memref<2x4096x64xf32, #tpu.memory_space<hbm>> -> memref<1x256x64xf32, #tpu.memory_space<hbm>>
      %dma_start3A_46 = tpu.memref_squeeze %dma_start3A_45 : memref<1x256x64xf32, #tpu.memory_space<hbm>> -> memref<256x64xf32, #tpu.memory_space<hbm>>
      %dma_start3A_47 = arith.constant 0 : i32
      %dma_start3A_48 = tpu.memref_slice %arg4[%arg0, %mul3A_0, %dma_start3A_47] : memref<2x4096x64xf32, #tpu.memory_space<hbm>> -> memref<1x256x64xf32, #tpu.memory_space<hbm>>
      %dma_start3A_49 = tpu.memref_squeeze %dma_start3A_48 : memref<1x256x64xf32, #tpu.memory_space<hbm>> -> memref<256x64xf32, #tpu.memory_space<hbm>>
      %dma_start3A_50 = arith.constant 0 : i32
      %dma_start3A_51 = arith.constant 0 : i32
      %dma_start3A_52 = tpu.memref_slice %arg6[%dma_start3A_50, %dma_start3A_51] : memref<1088x64xf32, #tpu.memory_space<vmem>> -> memref<256x64xf32, #tpu.memory_space<vmem>>
      tpu.enqueue_dma source(%dma_start3A_52 : memref<256x64xf32, #tpu.memory_space<vmem>>) target(%dma_start3A_49 : memref<256x64xf32, #tpu.memory_space<hbm>>) target_semaphore(%run_scoped3A : memref<!tpu.dma_semaphore, #tpu.memory_space<semaphore_mem>>)
      %dma_wait3A = arith.constant 0 : i32
      %dma_wait3A_53 = arith.constant 0 : i32
      %dma_wait3A_54 = tpu.memref_slice %arg6[%dma_wait3A, %dma_wait3A_53] : memref<1088x64xf32, #tpu.memory_space<vmem>> -> memref<256x64xf32, #tpu.memory_space<vmem>>
      %dma_wait3A_55 = arith.constant 0 : i32
      %dma_wait3A_56 = tpu.memref_slice %arg4[%arg0, %mul3A_0, %dma_wait3A_55] : memref<2x4096x64xf32, #tpu.memory_space<hbm>> -> memref<1x256x64xf32, #tpu.memory_space<hbm>>
      %dma_wait3A_57 = tpu.memref_squeeze %dma_wait3A_56 : memref<1x256x64xf32, #tpu.memory_space<hbm>> -> memref<256x64xf32, #tpu.memory_space<hbm>>
      %dma_wait3A_58 = arith.constant 0 : i32
      %dma_wait3A_59 = tpu.memref_slice %arg4[%arg0, %mul3A_0, %dma_wait3A_58] : memref<2x4096x64xf32, #tpu.memory_space<hbm>> -> memref<1x256x64xf32, #tpu.memory_space<hbm>>
      %dma_wait3A_60 = tpu.memref_squeeze %dma_wait3A_59 : memref<1x256x64xf32, #tpu.memory_space<hbm>> -> memref<256x64xf32, #tpu.memory_space<hbm>>
      %dma_wait3A_61 = arith.constant 0 : i32
      %dma_wait3A_62 = arith.constant 0 : i32
      %dma_wait3A_63 = tpu.memref_slice %arg6[%dma_wait3A_61, %dma_wait3A_62] : memref<1088x64xf32, #tpu.memory_space<vmem>> -> memref<256x64xf32, #tpu.memory_space<vmem>>
      tpu.wait_dma2 semaphore(%run_scoped3A : memref<!tpu.dma_semaphore, #tpu.memory_space<semaphore_mem>>) src(%dma_wait3A_63 : memref<256x64xf32, #tpu.memory_space<vmem>>) dst(%dma_wait3A_60 : memref<256x64xf32, #tpu.memory_space<hbm>>)
      tpu.yield
    }) : () -> ()
    %barrier3A = arith.constant 0 : index
    tpu.barrier barrier_id(%barrier3A)
    %mul3A_7 = arith.constant 1024 : i32
    %mul3A_8 = arith.muli %arg0, %mul3A_7 : i32
    %mul3A_9 = arith.constant 64 : i32
    %mul3A_10 = arith.muli %arg1, %mul3A_9 : i32
    %add3A = arith.addi %mul3A_8, %mul3A_10 : i32
    %sub3A = arith.constant 1984 : i32
    %sub3A_11 = arith.subi %sub3A, %add3A : i32
    "tpu.region"() ({
      %run_scoped3A = tpu.sem_alloc : memref<!tpu.dma_semaphore, #tpu.memory_space<semaphore_mem>>
      %dma_start3A = arith.constant 0 : i32
      %dma_start3A_42 = tpu.memref_slice %arg4[%arg0, %sub3A_11, %dma_start3A] : memref<2x4096x64xf32, #tpu.memory_space<hbm>> -> memref<1x1088x64xf32, #tpu.memory_space<hbm>>
      %dma_start3A_43 = tpu.memref_squeeze %dma_start3A_42 : memref<1x1088x64xf32, #tpu.memory_space<hbm>> -> memref<1088x64xf32, #tpu.memory_space<hbm>>
      %dma_start3A_44 = arith.constant 0 : i32
      %dma_start3A_45 = tpu.memref_slice %arg4[%arg0, %sub3A_11, %dma_start3A_44] : memref<2x4096x64xf32, #tpu.memory_space<hbm>> -> memref<1x1088x64xf32, #tpu.memory_space<hbm>>
      %dma_start3A_46 = tpu.memref_squeeze %dma_start3A_45 : memref<1x1088x64xf32, #tpu.memory_space<hbm>> -> memref<1088x64xf32, #tpu.memory_space<hbm>>
      tpu.enqueue_dma source(%dma_start3A_46 : memref<1088x64xf32, #tpu.memory_space<hbm>>) target(%arg6 : memref<1088x64xf32, #tpu.memory_space<vmem>>) target_semaphore(%run_scoped3A : memref<!tpu.dma_semaphore, #tpu.memory_space<semaphore_mem>>)
      %dma_wait3A = arith.constant 0 : i32
      %dma_wait3A_47 = tpu.memref_slice %arg4[%arg0, %sub3A_11, %dma_wait3A] : memref<2x4096x64xf32, #tpu.memory_space<hbm>> -> memref<1x1088x64xf32, #tpu.memory_space<hbm>>
      %dma_wait3A_48 = tpu.memref_squeeze %dma_wait3A_47 : memref<1x1088x64xf32, #tpu.memory_space<hbm>> -> memref<1088x64xf32, #tpu.memory_space<hbm>>
      %dma_wait3A_49 = arith.constant 0 : i32
      %dma_wait3A_50 = tpu.memref_slice %arg4[%arg0, %sub3A_11, %dma_wait3A_49] : memref<2x4096x64xf32, #tpu.memory_space<hbm>> -> memref<1x1088x64xf32, #tpu.memory_space<hbm>>
      %dma_wait3A_51 = tpu.memref_squeeze %dma_wait3A_50 : memref<1x1088x64xf32, #tpu.memory_space<hbm>> -> memref<1088x64xf32, #tpu.memory_space<hbm>>
      tpu.wait_dma2 semaphore(%run_scoped3A : memref<!tpu.dma_semaphore, #tpu.memory_space<semaphore_mem>>) src(%dma_wait3A_51 : memref<1088x64xf32, #tpu.memory_space<hbm>>) dst(%arg6 : memref<1088x64xf32, #tpu.memory_space<vmem>>)
      tpu.yield
    }) : () -> ()
    %scan3A_12 = arith.constant 0 : i32
    %scan3A_13 = arith.constant 0 : i32
    %scan3A_14 = arith.constant 64 : i32
    %scan3A_15 = arith.addi %scan3A_13, %scan3A_14 : i32
    %scan3A_16 = arith.constant 1 : i32
    %scan3A_17 = scf.for %scan3A_42 = %scan3A_13 to %scan3A_15 step %scan3A_16 iter_args(%scan3A_43 = %scan3A_12) -> (i32)  : i32 {
      %sub3A_44 = arith.constant 63 : i32
      %sub3A_45 = arith.subi %sub3A_44, %scan3A_42 : i32
      %add3A_46 = arith.addi %add3A, %scan3A_42 : i32
      %dma_start3A = arith.constant 0 : i32
      %dma_start3A_47 = arith.constant 0 : i32
      %dma_start3A_48 = tpu.memref_slice %arg6[%sub3A_45, %dma_start3A_47] : memref<1088x64xf32, #tpu.memory_space<vmem>> -> memref<1024x64xf32, #tpu.memory_space<vmem>>
      %dma_start3A_49 = arith.constant 0 : i32
      %dma_start3A_50 = arith.constant 0 : i32
      %dma_start3A_51 = tpu.memref_slice %arg3[%add3A_46, %dma_start3A, %dma_start3A_49, %dma_start3A_50] : memref<2048x2x1024x64xf32, #tpu.memory_space<hbm>> -> memref<1x1x1024x64xf32, #tpu.memory_space<hbm>>
      %dma_start3A_52 = tpu.memref_squeeze %dma_start3A_51 : memref<1x1x1024x64xf32, #tpu.memory_space<hbm>> -> memref<1024x64xf32, #tpu.memory_space<hbm>>
      %dma_start3A_53 = arith.constant 0 : i32
      %dma_start3A_54 = arith.constant 0 : i32
      %dma_start3A_55 = tpu.memref_slice %arg3[%add3A_46, %dma_start3A, %dma_start3A_53, %dma_start3A_54] : memref<2048x2x1024x64xf32, #tpu.memory_space<hbm>> -> memref<1x1x1024x64xf32, #tpu.memory_space<hbm>>
      %dma_start3A_56 = tpu.memref_squeeze %dma_start3A_55 : memref<1x1x1024x64xf32, #tpu.memory_space<hbm>> -> memref<1024x64xf32, #tpu.memory_space<hbm>>
      %dma_start3A_57 = arith.constant 0 : i32
      %dma_start3A_58 = tpu.memref_slice %arg6[%sub3A_45, %dma_start3A_57] : memref<1088x64xf32, #tpu.memory_space<vmem>> -> memref<1024x64xf32, #tpu.memory_space<vmem>>
      tpu.enqueue_dma source(%dma_start3A_58 : memref<1024x64xf32, #tpu.memory_space<vmem>>) target(%dma_start3A_56 : memref<1024x64xf32, #tpu.memory_space<hbm>>) target_semaphore(%arg7 : memref<!tpu.dma_semaphore, #tpu.memory_space<semaphore_mem>>)
      %scan3A_59 = arith.constant 0 : i32
      scf.yield %scan3A_59 : i32
    }
    %scan3A_18 = arith.constant 64 : i32
    %scan3A_19 = arith.constant 0 : i32
    %scan3A_20 = arith.constant 0 : i32
    %scan3A_21 = arith.constant 64 : i32
    %scan3A_22 = arith.addi %scan3A_20, %scan3A_21 : i32
    %scan3A_23 = arith.constant 1 : i32
    %scan3A_24 = scf.for %scan3A_42 = %scan3A_20 to %scan3A_22 step %scan3A_23 iter_args(%scan3A_43 = %scan3A_19) -> (i32)  : i32 {
      %dma_wait3A = arith.constant 0 : i32
      %dma_wait3A_44 = arith.constant 0 : i32
      %dma_wait3A_45 = arith.constant 0 : i32
      %dma_wait3A_46 = tpu.memref_slice %arg6[%dma_wait3A_44, %dma_wait3A_45] : memref<1088x64xf32, #tpu.memory_space<vmem>> -> memref<1024x64xf32, #tpu.memory_space<vmem>>
      %dma_wait3A_47 = arith.constant 0 : i32
      %dma_wait3A_48 = arith.constant 0 : i32
      %dma_wait3A_49 = tpu.memref_slice %arg3[%add3A, %dma_wait3A, %dma_wait3A_47, %dma_wait3A_48] : memref<2048x2x1024x64xf32, #tpu.memory_space<hbm>> -> memref<1x1x1024x64xf32, #tpu.memory_space<hbm>>
      %dma_wait3A_50 = tpu.memref_squeeze %dma_wait3A_49 : memref<1x1x1024x64xf32, #tpu.memory_space<hbm>> -> memref<1024x64xf32, #tpu.memory_space<hbm>>
      %dma_wait3A_51 = arith.constant 0 : i32
      %dma_wait3A_52 = arith.constant 0 : i32
      %dma_wait3A_53 = tpu.memref_slice %arg3[%add3A, %dma_wait3A, %dma_wait3A_51, %dma_wait3A_52] : memref<2048x2x1024x64xf32, #tpu.memory_space<hbm>> -> memref<1x1x1024x64xf32, #tpu.memory_space<hbm>>
      %dma_wait3A_54 = tpu.memref_squeeze %dma_wait3A_53 : memref<1x1x1024x64xf32, #tpu.memory_space<hbm>> -> memref<1024x64xf32, #tpu.memory_space<hbm>>
      %dma_wait3A_55 = arith.constant 0 : i32
      %dma_wait3A_56 = arith.constant 0 : i32
      %dma_wait3A_57 = tpu.memref_slice %arg6[%dma_wait3A_55, %dma_wait3A_56] : memref<1088x64xf32, #tpu.memory_space<vmem>> -> memref<1024x64xf32, #tpu.memory_space<vmem>>
      tpu.wait_dma2 semaphore(%arg7 : memref<!tpu.dma_semaphore, #tpu.memory_space<semaphore_mem>>) src(%dma_wait3A_57 : memref<1024x64xf32, #tpu.memory_space<vmem>>) dst(%dma_wait3A_54 : memref<1024x64xf32, #tpu.memory_space<hbm>>)
      %scan3A_58 = arith.constant 0 : i32
      scf.yield %scan3A_58 : i32
    }
    %scan3A_25 = arith.constant 64 : i32
    %sub3A_26 = arith.constant 3008 : i32
    %sub3A_27 = arith.subi %sub3A_26, %add3A : i32
    "tpu.region"() ({
      %run_scoped3A = tpu.sem_alloc : memref<!tpu.dma_semaphore, #tpu.memory_space<semaphore_mem>>
      %dma_start3A = arith.constant 0 : i32
      %dma_start3A_42 = tpu.memref_slice %arg4[%arg0, %sub3A_27, %dma_start3A] : memref<2x4096x64xf32, #tpu.memory_space<hbm>> -> memref<1x1088x64xf32, #tpu.memory_space<hbm>>
      %dma_start3A_43 = tpu.memref_squeeze %dma_start3A_42 : memref<1x1088x64xf32, #tpu.memory_space<hbm>> -> memref<1088x64xf32, #tpu.memory_space<hbm>>
      %dma_start3A_44 = arith.constant 0 : i32
      %dma_start3A_45 = tpu.memref_slice %arg4[%arg0, %sub3A_27, %dma_start3A_44] : memref<2x4096x64xf32, #tpu.memory_space<hbm>> -> memref<1x1088x64xf32, #tpu.memory_space<hbm>>
      %dma_start3A_46 = tpu.memref_squeeze %dma_start3A_45 : memref<1x1088x64xf32, #tpu.memory_space<hbm>> -> memref<1088x64xf32, #tpu.memory_space<hbm>>
      tpu.enqueue_dma source(%dma_start3A_46 : memref<1088x64xf32, #tpu.memory_space<hbm>>) target(%arg6 : memref<1088x64xf32, #tpu.memory_space<vmem>>) target_semaphore(%run_scoped3A : memref<!tpu.dma_semaphore, #tpu.memory_space<semaphore_mem>>)
      %dma_wait3A = arith.constant 0 : i32
      %dma_wait3A_47 = tpu.memref_slice %arg4[%arg0, %sub3A_27, %dma_wait3A] : memref<2x4096x64xf32, #tpu.memory_space<hbm>> -> memref<1x1088x64xf32, #tpu.memory_space<hbm>>
      %dma_wait3A_48 = tpu.memref_squeeze %dma_wait3A_47 : memref<1x1088x64xf32, #tpu.memory_space<hbm>> -> memref<1088x64xf32, #tpu.memory_space<hbm>>
      %dma_wait3A_49 = arith.constant 0 : i32
      %dma_wait3A_50 = tpu.memref_slice %arg4[%arg0, %sub3A_27, %dma_wait3A_49] : memref<2x4096x64xf32, #tpu.memory_space<hbm>> -> memref<1x1088x64xf32, #tpu.memory_space<hbm>>
      %dma_wait3A_51 = tpu.memref_squeeze %dma_wait3A_50 : memref<1x1088x64xf32, #tpu.memory_space<hbm>> -> memref<1088x64xf32, #tpu.memory_space<hbm>>
      tpu.wait_dma2 semaphore(%run_scoped3A : memref<!tpu.dma_semaphore, #tpu.memory_space<semaphore_mem>>) src(%dma_wait3A_51 : memref<1088x64xf32, #tpu.memory_space<hbm>>) dst(%arg6 : memref<1088x64xf32, #tpu.memory_space<vmem>>)
      tpu.yield
    }) : () -> ()
    %scan3A_28 = arith.constant 0 : i32
    %scan3A_29 = arith.constant 0 : i32
    %scan3A_30 = arith.constant 64 : i32
    %scan3A_31 = arith.addi %scan3A_29, %scan3A_30 : i32
    %scan3A_32 = arith.constant 1 : i32
    %scan3A_33 = scf.for %scan3A_42 = %scan3A_29 to %scan3A_31 step %scan3A_32 iter_args(%scan3A_43 = %scan3A_28) -> (i32)  : i32 {
      %sub3A_44 = arith.constant 63 : i32
      %sub3A_45 = arith.subi %sub3A_44, %scan3A_42 : i32
      %add3A_46 = arith.addi %add3A, %scan3A_42 : i32
      %dma_start3A = arith.constant 1 : i32
      %dma_start3A_47 = arith.constant 0 : i32
      %dma_start3A_48 = tpu.memref_slice %arg6[%sub3A_45, %dma_start3A_47] : memref<1088x64xf32, #tpu.memory_space<vmem>> -> memref<1024x64xf32, #tpu.memory_space<vmem>>
      %dma_start3A_49 = arith.constant 0 : i32
      %dma_start3A_50 = arith.constant 0 : i32
      %dma_start3A_51 = tpu.memref_slice %arg3[%add3A_46, %dma_start3A, %dma_start3A_49, %dma_start3A_50] : memref<2048x2x1024x64xf32, #tpu.memory_space<hbm>> -> memref<1x1x1024x64xf32, #tpu.memory_space<hbm>>
      %dma_start3A_52 = tpu.memref_squeeze %dma_start3A_51 : memref<1x1x1024x64xf32, #tpu.memory_space<hbm>> -> memref<1024x64xf32, #tpu.memory_space<hbm>>
      %dma_start3A_53 = arith.constant 0 : i32
      %dma_start3A_54 = arith.constant 0 : i32
      %dma_start3A_55 = tpu.memref_slice %arg3[%add3A_46, %dma_start3A, %dma_start3A_53, %dma_start3A_54] : memref<2048x2x1024x64xf32, #tpu.memory_space<hbm>> -> memref<1x1x1024x64xf32, #tpu.memory_space<hbm>>
      %dma_start3A_56 = tpu.memref_squeeze %dma_start3A_55 : memref<1x1x1024x64xf32, #tpu.memory_space<hbm>> -> memref<1024x64xf32, #tpu.memory_space<hbm>>
      %dma_start3A_57 = arith.constant 0 : i32
      %dma_start3A_58 = tpu.memref_slice %arg6[%sub3A_45, %dma_start3A_57] : memref<1088x64xf32, #tpu.memory_space<vmem>> -> memref<1024x64xf32, #tpu.memory_space<vmem>>
      tpu.enqueue_dma source(%dma_start3A_58 : memref<1024x64xf32, #tpu.memory_space<vmem>>) target(%dma_start3A_56 : memref<1024x64xf32, #tpu.memory_space<hbm>>) target_semaphore(%arg7 : memref<!tpu.dma_semaphore, #tpu.memory_space<semaphore_mem>>)
      %scan3A_59 = arith.constant 0 : i32
      scf.yield %scan3A_59 : i32
    }
    %scan3A_34 = arith.constant 64 : i32
    %scan3A_35 = arith.constant 0 : i32
    %scan3A_36 = arith.constant 0 : i32
    %scan3A_37 = arith.constant 64 : i32
    %scan3A_38 = arith.addi %scan3A_36, %scan3A_37 : i32
    %scan3A_39 = arith.constant 1 : i32
    %scan3A_40 = scf.for %scan3A_42 = %scan3A_36 to %scan3A_38 step %scan3A_39 iter_args(%scan3A_43 = %scan3A_35) -> (i32)  : i32 {
      %dma_wait3A = arith.constant 1 : i32
      %dma_wait3A_44 = arith.constant 0 : i32
      %dma_wait3A_45 = arith.constant 0 : i32
      %dma_wait3A_46 = tpu.memref_slice %arg6[%dma_wait3A_44, %dma_wait3A_45] : memref<1088x64xf32, #tpu.memory_space<vmem>> -> memref<1024x64xf32, #tpu.memory_space<vmem>>
      %dma_wait3A_47 = arith.constant 0 : i32
      %dma_wait3A_48 = arith.constant 0 : i32
      %dma_wait3A_49 = tpu.memref_slice %arg3[%add3A, %dma_wait3A, %dma_wait3A_47, %dma_wait3A_48] : memref<2048x2x1024x64xf32, #tpu.memory_space<hbm>> -> memref<1x1x1024x64xf32, #tpu.memory_space<hbm>>
      %dma_wait3A_50 = tpu.memref_squeeze %dma_wait3A_49 : memref<1x1x1024x64xf32, #tpu.memory_space<hbm>> -> memref<1024x64xf32, #tpu.memory_space<hbm>>
      %dma_wait3A_51 = arith.constant 0 : i32
      %dma_wait3A_52 = arith.constant 0 : i32
      %dma_wait3A_53 = tpu.memref_slice %arg3[%add3A, %dma_wait3A, %dma_wait3A_51, %dma_wait3A_52] : memref<2048x2x1024x64xf32, #tpu.memory_space<hbm>> -> memref<1x1x1024x64xf32, #tpu.memory_space<hbm>>
      %dma_wait3A_54 = tpu.memref_squeeze %dma_wait3A_53 : memref<1x1x1024x64xf32, #tpu.memory_space<hbm>> -> memref<1024x64xf32, #tpu.memory_space<hbm>>
      %dma_wait3A_55 = arith.constant 0 : i32
      %dma_wait3A_56 = arith.constant 0 : i32
      %dma_wait3A_57 = tpu.memref_slice %arg6[%dma_wait3A_55, %dma_wait3A_56] : memref<1088x64xf32, #tpu.memory_space<vmem>> -> memref<1024x64xf32, #tpu.memory_space<vmem>>
      tpu.wait_dma2 semaphore(%arg7 : memref<!tpu.dma_semaphore, #tpu.memory_space<semaphore_mem>>) src(%dma_wait3A_57 : memref<1024x64xf32, #tpu.memory_space<vmem>>) dst(%dma_wait3A_54 : memref<1024x64xf32, #tpu.memory_space<hbm>>)
      %scan3A_58 = arith.constant 0 : i32
      scf.yield %scan3A_58 : i32
    }
    %scan3A_41 = arith.constant 64 : i32
    return
  }
}

</mosaic_0001>

<sc_bundles>
// kernel: kernel.3.cloned.1.call-start
scs
__scs_entry_jumppad:
0x0: {  	(pc) =	sbr.rel $0x88, $3  }
0x1: {  	(tag) =	ssettag $0x0;
	lr =	simm.s32 $0x1  }
0x2: {  	[smem:$0x3FA0] =	sst lr;
	_ =	strace $0xD0000000  }
0x3: {  	_ = 	snop  }
0x4: {  	_ = 	snop  }
0x5: {  	_ = 	snop  }
0x6: {  	_ = 	snop  }
0x7: {  	_ = 	snop  }
__scs_overlays_trampoline_lowered:
0x8: {  	[smem:$0x3FAF] =	sst s0  }
0x9: {  	[smem:$0x3FB0] =	sst s1  }
0xa: {  	[smem:$0x3FB1] =	sst s2  }
0xb: {  	[smem:$0x3FB2] =	sst s3  }
0xc: {  	[smem:$0x3FB3] =	sst s4  }
0xd: {  	[smem:$0x3FB4] =	sst s5  }
0xe: {  	[smem:$0x3FB5] =	sst s6  }
0xf: {  	[smem:$0x3FB6] =	sst s7  }
0x10: {  	[smem:$0x3FB7] =	sst s8  }
0x11: {  	[smem:$0x3FB8] =	sst s9;
	s0 =	simm.s32 @!p0 $0x0  }
0x12: {  	s1 =	sld [smem:$0x3F9E];
	s0 =	simm.s32 @p0 $0x1  }
0x13: {  	[smem:$0x3FB9] =	sst s0;
	s0 =	simm.s32 @!p1 $0x0  }
0x14: {  	s2 =	sld [smem:$0x3F9D];
	s0 =	simm.s32 @p1 $0x1  }
0x15: {  	[smem:$0x3FBA] =	sst s0;
	s0 =	simm.s32 @!p2 $0x0  }
0x16: {  	s3 =	sld [smem:$0x3FDB];
	s0 =	simm.s32 @p2 $0x1  }
0x17: {  	s4 =	simm.s32 $0x1BF5;
	[smem:$0x3FBC] =	sst s0  }
0x18: {  	s0 =	sld [smem:$0x3F9F];
	_ =	swait.ge [sflag:s4], $0x0  }
0x19: {  	s7 =	sld [smem:$0x3FA0]  }
0x1a: {  	s8 =	sadd.s32 $0xFFFFE003, lr  }
0x1b: {  	s9 =	sadd.s32 $0xFFFFFEF7, lr;
	s5 =	simm.s32 $0xFFFFFFFF;
	p2 =	slt.u32 s8, $0xFFFFF086  }
0x1c: {  	p1 =	slt.u32 s9, $0xF7A;
	s5 =	simm.s32 @!p2 $0x0  }
0x1d: {  	s5 =	simm.s32 @p1 $0x1;
	p0 =	seq.s32 s7, s2  }
0x1e: {  	s7 =	smul.u32 @!p0 $0xF7A, s2;
	p2 =	seq.s32 @!p0 s5, $0x0  }
0x1f: {  	s9 =	smul.u32 $0xF7A, s1;
	s8 =	simm.s32 @!p0 $0x1BF5;
	p2 =	por !p2, p0  }
0x20: {  	[sflag:s8] =	ssyncset.s32 @!p0 $0xFFFFF086;
	s6 =	sadd.s32 @!p0 s3, s7;
	s7 =	simm.s32 @!p0 $0x108  }
0x21: {  	s3 =	sadd.s32 s3, s9;
	s6 =	sadd.s32 @!p0 $0x88, s6;
	s7 =	simm.s32 @p2 $0x1082  }
0x22: {  	[simem:s7], [sflag:s8] =	dma.local @!p0 [hbm:s6], $0xF7A  }
0x23: {  	s9 =	sor.u32 $0xD0000000, s2;
	s6 =	simm.s32 $0x108;
	_ =	swait.ge @!p0 [sflag:s8], $0x0  }
0x24: {  	s3 =	sadd.s32 $0x88, s3;
	s6 =	simm.s32 @!p1 $0x1082;
	[sflag:s4] =	ssyncset.s32 $0xFFFFF086  }
0x25: {  	[simem:s6], [sflag:s4] =	dma.local [hbm:s3], $0xF7A  }
0x26: {  	[smem:$0x3FA0] =	sst s1;
	(tag) =	ssettag s2;
	_ =	strace s9  }
0x27: {  	s1 =	sld [smem:$0x3FB0]  }
0x28: {  	s2 =	sld [smem:$0x3FB1]  }
0x29: {  	s4 =	sld [smem:$0x3FB3]  }
0x2a: {  	p0 =	seq.s32 s5, $0x0;
	s5 =	sld [smem:$0x3FB4]  }
0x2b: {  	s6 =	sld [smem:$0x3FB5]  }
0x2c: {  	s7 =	sld [smem:$0x3FB6]  }
0x2d: {  	s3 =	simm.s32 $0x108;
	s8 =	sld [smem:$0x3FB7]  }
0x2e: {  	s3 =	simm.s32 @!p0 $0x1082;
	s9 =	sld [smem:$0x3FB8]  }
0x2f: {  	lr =	sadd.s32 s0, s3;
	s0 =	sld [smem:$0x3FAF]  }
0x30: {  	s3 =	sld [smem:$0x3FB2]  }
0x31: {  	[smem:$0x3FBB] =	sst s10  }
0x32: {  	s10 =	sld [smem:$0x3FB9];
	_ =	sdelay $0x3  }
0x33: {  	p0 =	seq.s32 s10, $0x1;
	s10 =	sld [smem:$0x3FBB];
	_ =	sdelay $0x3  }
0x34: {  	[smem:$0x3FBB] =	sst s10  }
0x35: {  	s10 =	sld [smem:$0x3FBA];
	_ =	sdelay $0x3  }
0x36: {  	p1 =	seq.s32 s10, $0x1;
	s10 =	sld [smem:$0x3FBB];
	_ =	sdelay $0x3  }
0x37: {  	[smem:$0x3FBB] =	sst s10  }
0x38: {  	s10 =	sld [smem:$0x3FBC]  }
0x39: {  	_ = 	snop;
	(pc) =	sbr.ind lr, $3  }
0x3a: {  	_ = 	snop  }
0x3b: {  	_ = 	snop  }
0x3c: {  	p2 =	seq.s32 s10, $0x1;
	s10 =	sld [smem:$0x3FBB]  }
0x3d: {  	_ =	shalt  }
0x3e: {  	_ =	shalt  }
0x3f: {  	_ =	shalt  }
0x40: {  	_ =	shalt  }
0x41: {  	_ =	shalt  }
0x42: {  	_ =	shalt  }
0x43: {  	_ =	shalt  }
0x44: {  	_ =	shalt  }
0x45: {  	_ =	shalt  }
0x46: {  	_ =	shalt  }
0x47: {  	_ =	shalt  }
0x48: {  	_ =	shalt  }
0x49: {  	_ =	shalt  }
0x4a: {  	_ =	shalt  }
0x4b: {  	_ =	shalt  }
0x4c: {  	_ =	shalt  }
0x4d: {  	_ =	shalt  }
0x4e: {  	_ =	shalt  }
0x4f: {  	_ =	shalt  }
0x50: {  	_ =	shalt  }
0x51: {  	_ =	shalt  }
0x52: {  	_ =	shalt  }
0x53: {  	_ =	shalt  }
0x54: {  	_ =	shalt  }
0x55: {  	_ =	shalt  }
0x56: {  	_ =	shalt  }
0x57: {  	_ =	shalt  }
0x58: {  	_ =	shalt  }
0x59: {  	_ =	shalt  }
0x5a: {  	_ =	shalt  }
0x5b: {  	_ =	shalt  }
0x5c: {  	_ =	shalt  }
0x5d: {  	_ =	shalt  }
0x5e: {  	_ =	shalt  }
0x5f: {  	_ =	shalt  }
0x60: {  	_ =	shalt  }
0x61: {  	_ =	shalt  }
0x62: {  	_ =	shalt  }
0x63: {  	_ =	shalt  }
0x64: {  	_ =	shalt  }
0x65: {  	_ =	shalt  }
0x66: {  	_ =	shalt  }
0x67: {  	_ =	shalt  }
0x68: {  	_ =	shalt  }
0x69: {  	_ =	shalt  }
0x6a: {  	_ =	shalt  }
0x6b: {  	_ =	shalt  }
0x6c: {  	_ =	shalt  }
0x6d: {  	_ =	shalt  }
0x6e: {  	_ =	shalt  }
0x6f: {  	_ =	shalt  }
0x70: {  	_ =	shalt  }
0x71: {  	_ =	shalt  }
0x72: {  	_ =	shalt  }
0x73: {  	_ =	shalt  }
0x74: {  	_ =	shalt  }
0x75: {  	_ =	shalt  }
0x76: {  	_ =	shalt  }
0x77: {  	_ =	shalt  }
0x78: {  	_ =	shalt  }
0x79: {  	_ =	shalt  }
0x7a: {  	_ =	shalt  }
0x7b: {  	_ =	shalt  }
0x7c: {  	_ =	shalt  }
0x7d: {  	_ =	shalt  }
0x7e: {  	_ =	shalt  }
0x7f: {  	_ =	shalt  }
0x80: {  	_ =	shalt  }
0x81: {  	_ =	shalt  }
0x82: {  	_ =	shalt  }
0x83: {  	_ =	shalt  }
0x84: {  	_ =	shalt  }
0x85: {  	_ =	shalt  }
0x86: {  	_ =	shalt  }
0x87: {  	_ =	shalt  }
.Lfunc_end0:
.L_simem_size_0:
called_computation.1_lowered:
.L_overlay_start_0:
0x88: {  	s2 =	sld [smem:$0x3FD9]  }
0x89: {  	s3 =	sld [smem:$0x3FFE];
	_ =	sdelay $0x1  }
0x8a: {  	s1 =	srdreg.scid  }
0x8b: {  	s0 =	sand.u32 $0x1, s1  }
0x8c: {  	s17 =	sshll.u32 s0, $0xA;
	s2 =	sadd.s32 s3, s2  }
0x8d: {  	s2 =	sadd.s32 s2, s17  }
0x8e: {  	[smem:$0x3FC7] =	sst s2  }
0x8f: {  	_ = 	snop  }
0x90: {  	s2 =	sld [smem:$0x3FD0];
	(tm) =	ssettm $0x1  }
0x91: {  	s18 =	sld [smem:$0x3FFB];
	_ =	sdelay $0x3  }
0x92: {  	_ =	strace s18  }
0x93: {  	s3 =	sld [smem:$0x3FFC];
	_ =	sdelay $0x3  }
0x94: {  	_ =	strace s3  }
0x95: {  	s3 =	sld [smem:$0x3FFD];
	_ =	sdelay $0x3  }
0x96: {  	_ =	strace s3  }
0x97: {  	_ =	strace $0x8FFFFFFF  }
0x98: {  	s19 =	sld [smem:$0x3FDB];
	_ =	sdelay $0x1  }
0x99: {  	s4 =	simm.s32 $_scs_section_size  }
0x9a: {  	s5 =	simm.s32 $_size__tile_overlayer_lowered;
	s6 =	simm.s32 $_tile_overlayer_lowered  }
0x9b: {  	s22 =	simm.s32 $0x1BFF;
	s21 =	sshll.u32 s6, $0x1;
	s3 =	sadd.s32 s4, s19  }
0x9c: {  	s7 =	simm.s32 $0x0;
	s20 =	sshll.u32 s5, $0x1;
	s5 =	sadd.s32 s21, s3  }
0x9d: {  	[timem:s7], [sflag:s22] =	dma.local [hbm:s5], s20  }
0x9e: {  	_ =	swait.ge [sflag:s22], s20  }
0x9f: {  	s4 =	ssub.s32 $0x0, s20;
	[sflag:s22] =	ssyncset.done $0x0  }
0xa0: {  	[sflag:s22] =	ssyncadd.s32 s4;
	_ =	sdelay $0x1  }
0xa1: {  	s23 =	simm.s32 $0x1B8B  }
0xa2: {  	_ =	swait.ge [sflag:s23], $0x1  }
0xa3: {  	[sflag:s23] =	ssyncset.done $0x0  }
0xa4: {  	s25 =	simm.s32 $0x1B8E;
	s24 =	sld [smem:$0x3FFE];
	[sflag:s23] =	ssyncadd.s32 $0xFFFFFFFF  }
0xa5: {  	s26 =	simm.s32 $execute0_lowered;
	[smem:$0x3FD2] =	sst s25  }
0xa6: {  	s5 =	sshll.u32 s26, $0x1;
	_ =	strace $0x80000046;
	[dreg:$0x1] =	wrdreg $0xFFFFFFFF  }
0xa7: {  	s28 =	simm.s32 $_size_execute0_lowered;
	s3 =	sadd.s32 s3, s5;
	[dreg:$0x0] =	wrdreg $0x0  }
0xa8: {  	s5 =	sshll.u32 s28, $0x1;
	[dreg:$0x2] =	wrdreg s3  }
0xa9: {  	[dreg:$0x3] =	wrdreg s5  }
0xaa: {  	[dreg:$0x4] =	wrdreg $0xC0  }
0xab: {  	_ =	task [dreg:s7], $0x5FFFF  }
0xac: {  	[dreg:$0x1] =	wrdreg $0xFFFFFFFF  }
0xad: {  	[dreg:$0x0] =	wrdreg $0x60  }
0xae: {  	[dreg:$0x2] =	wrdreg s24  }
0xaf: {  	[dreg:$0x3] =	wrdreg s2  }
0xb0: {  	[dreg:$0x4] =	wrdreg $0x9  }
0xb1: {  	_ =	task.clear_ibuf [dreg:s7], $0x5FFFF;
	_ =	strace $0x90000046  }
0xb2: {  	s29 =	simm.s32 $0x9;
	_ =	strace $0x80000048  }
0xb3: {  	_ =	swait.ge [sflag:s29], $0x1  }
0xb4: {  	[sflag:s29] =	ssyncadd.s32 $0xFFFFFFFF  }
0xb5: {  	_ =	strace $0x90000048  }
0xb6: {  	_ =	sfence  }
0xb7: {  	s30 =	sld [smem:$0x0];
	_ =	sdelay $0x2  }
0xb8: {  	s31 =	sshll.u32 s1, $0xD;
	s1 =	sshrl.u32 s1, $0x2  }
0xb9: {  	s3 =	sand.u32 $0x4000, s31;
	s1 =	sadd.s32 s1, s30  }
0xba: {  	s0 =	sor.u32 s3, s0;
	s1 =	sshll.u32 s1, $0x11  }
0xbb: {  	s0 =	sor.u32 s1, s0  }
0xbc: {  	s0 =	sadd.s32 $0x8F2B, s0  }
0xbd: {  	[sflag:s0] =	ssyncadd.remote.s32 $0x1  }
0xbe: {  	_ =	sfence.sel $0xFFFF  }
0xbf: {  	[dreg:$0x0] =	wrdreg $0xFFFFFFFF;
	(pc) =	sbr.abs _section_cstart, $3  }
0xc0: {  	[dreg:$0x1] =	wrdreg $0xFFFFFFFF  }
0xc1: {  	_ =	task.clear_ibuf [dreg:s7], $0x2FFFF;
	_ =	strace $0x9FFFFFFF  }
0xc2: {  	(tm) =	ssettm $0x7FFFFFFF  }
0xc3: {  	_ =	shalt  }
tec
execute0_lowered:
.L_overlay_start_1:
0x0: {  	(tag) =	ssettag $0x1  }
0x1: {  	s2 =	rddreg [dreg:$0x0]  }
0x2: {  	s6 =	rddreg [dreg:$0x1]  }
0x3: {  	s0 =	rddreg [dreg:$0x2];
	s1 =	simm.s32 $0x0  }
0x4: {  	s4 =	srdreg.scid;
	s13 =	simm.s32 $0x1;
	s14 =	simm.s32 $0x0  }
0x5: {  	[smem:$0x7FF] =	sst s1;
	s3 =	sadd.s32 $0xC00, s2;
	s7 =	sadd.s32 $0x1600, s2  }
0x6: {  	s8 =	sand.u32 $0x1, s4;
	s2 =	stileid.u32;
	_ =	strace $0x80000047  }
0x7: {  	s4 =	ssub.s32 $0x2, s8;
	s5 =	sshll.u32 s8, $0x12;
	s9 =	sshll.u32 s2, $0xE  }
0x8: {  	s10 =	sshll.u32 s2, $0xC;
	s11 =	sshll.u32 s8, $0x10;
	s8 =	sshll.u32 s8, $0x18  }
0x9: {  	s31 =	sshll.u32 s2, $0x14;
	s12 =	sshrl.u32 s4, $0x1;
	s9 =	sor.u32 s9, s5  }
0xa: {  	s10 =	sor.u32 s10, s11;
	s8 =	sadd.s32 s8, s6;
	s11 =	simm.s32 $0x2  }
0xb: {  	s29 =	ssub.s32 s4, s12;
	s9 =	sshrl.u32 s9, $0x3;
	s10 =	ssub.s32 s5, s10  }
0xc: {  	s4 =	sshll.u32 s2, $0x8;
	s8 =	sadd.s32 s31, s8;
	s30 =	sadd.s32 $0x1F000, s10  }
0xd: {  	s5 =	sadd.s32 s7, s9;
	s10 =	sadd.s32 $0x2F000, s10;
	s9 =	sshrl.u32 s30, $0x3  }
0xe: {  	s12 =	simm.s32 $0x4200;
	s10 =	sshrl.u32 s10, $0x3;
	s6 =	sadd.s32 s7, s9  }
0xf: {  	s7 =	sadd.s32 s7, s10;
	s9 =	smax.u32 s29, $0x1;
	s10 =	sadd.s32 $0x2000, s8  }
.LBB2_1:
0x10: {  	[tilespmem:s1], [sflag:$0x2] =	stream.linear.gather [hbm4b:s3+s1], $0x4040, $0x38;
	[tilespmem:$0x15200] =	vst v63  }
0x11: {  	s15 =	sadd.s32 $0x0, s4  }
0x12: {  	p0 =	sgt.s32 s15, $0x77F  }
0x13: {  	_ =	swait.ge [sflag:s11], $0x4040;
	s15 =	simm.s32 @!p0 $0x77F  }
0x14: {  	[sflag:s11] =	ssyncset.done $0x0;
	s15 =	smin.u32 s15, $0x87F  }
0x15: {  	[sflag:s11] =	ssyncadd.s32 $0xFFFFBFC0;
	s16 =	sshll.u32 s15, $0x6  }
0x16: {  	v0 =	vld [tilespmem:s16+$0xFFFE2040];
	_ =	sdelay $0x3  }
0x17: {  	s15 =	simm.s32 $0x4220  }
0x18: {  	[tilespmem:s15+$0xFFFFFFE0] =	vst v0  }
0x19: {  	v0 =	vld [tilespmem:s16+$0xFFFE2050];
	_ =	sdelay $0x4  }
0x1a: {  	[tilespmem:s15+$0xFFFFFFF0] =	vst v0  }
0x1b: {  	v0 =	vld [tilespmem:s16+$0xFFFE2060];
	_ =	sdelay $0x4  }
0x1c: {  	[tilespmem:s15+$0x0] =	vst v0  }
0x1d: {  	v0 =	vld [tilespmem:s16+$0xFFFE2070]  }
0x1e: {  	s17 =	sadd.s32 $0x1, s4;
	s16 =	simm.s32 $0x2  }
.LBB2_2:
0x1f: {  	p0 =	sne.s32 s16, $0xFF;
	p1 =	sgt.s32 s17, $0x77F  }
0x20: {  	s17 =	simm.s32 @!p1 $0x77F  }
0x21: {  	s17 =	smin.u32 s17, $0x87F  }
0x22: {  	s17 =	sshll.u32 s17, $0x6;
	[tilespmem:s15+$0x10] =	vst v0  }
0x23: {  	v0 =	vld [tilespmem:s17+$0xFFFE2040];
	_ =	sdelay $0x3  }
0x24: {  	s15 =	sadd.s32 $0x40, s15  }
0x25: {  	[tilespmem:s15+$0xFFFFFFE0] =	vst v0  }
0x26: {  	v0 =	vld [tilespmem:s17+$0xFFFE2050];
	_ =	sdelay $0x4  }
0x27: {  	[tilespmem:s15+$0xFFFFFFF0] =	vst v0  }
0x28: {  	v0 =	vld [tilespmem:s17+$0xFFFE2060];
	_ =	sdelay $0x2  }
.Ltmp0:
0x29: {  	(pc) =	sbr.rel @p0 .LBB2_2-.Ltmp0, $4  }
0x2a: {  	_ = 	snop  }
0x2b: {  	[tilespmem:s15+$0x0] =	vst v0  }
0x2c: {  	v0 =	vld [tilespmem:s17+$0xFFFE2070]  }
0x2d: {  	s17 =	sadd.s32 s16, s4;
	s16 =	sadd.s32 $0x1, s16  }
0x2e: {  	p0 =	sgt.s32 s17, $0x77F  }
0x2f: {  	s17 =	simm.s32 @!p0 $0x77F  }
0x30: {  	s16 =	smin.u32 s17, $0x87F  }
0x31: {  	s16 =	sshll.u32 s16, $0x6;
	[tilespmem:s15+$0x10] =	vst v0  }
0x32: {  	v0 =	vld [tilespmem:s16+$0xFFFE2040];
	_ =	sdelay $0x3  }
0x33: {  	s31 =	sadd.s32 $0x40, s15  }
0x34: {  	[tilespmem:s31+$0xFFFFFFE0] =	vst v0  }
0x35: {  	v0 =	vld [tilespmem:s16+$0xFFFE2050];
	_ =	sdelay $0x4  }
0x36: {  	[tilespmem:s31+$0xFFFFFFF0] =	vst v0  }
0x37: {  	v0 =	vld [tilespmem:s16+$0xFFFE2060];
	_ =	sdelay $0x4  }
0x38: {  	[tilespmem:s31+$0x0] =	vst v0  }
0x39: {  	v0 =	vld [tilespmem:s16+$0xFFFE2070];
	_ =	sdelay $0x4  }
0x3a: {  	[tilespmem:s31+$0x10] =	vst v0  }
0x3b: {  	[hbm4b:s5+s1] =	stream.linear.scatter [tilespmem:s12], [sflag:$0x2], $0x4000, $0x38;
	[tilespmem:$0x15200] =	vst v63  }
0x3c: {  	_ =	swait.ge [sflag:s11], $0x4000  }
0x3d: {  	[sflag:s11] =	ssyncset.done $0x0  }
0x3e: {  	[sflag:s11] =	ssyncadd.s32 $0xFFFFC000  }
0x3f: {  	[bflag:$0x0] =	sbarrier.arrive $0xFFFF  }
0x40: {  	[tilespmem:s12], [sflag:$0x2] =	stream.linear.gather [hbm4b:s6+s1], $0x11000, $0x38;
	[tilespmem:$0x15200] =	vst v63  }
0x41: {  	_ =	swait.ge [sflag:s11], $0x11000  }
0x42: {  	[sflag:s11] =	ssyncset.done $0x0  }
0x43: {  	s15 =	simm.s32 $0x3F00;
	s16 =	smov.u32 s8;
	[sflag:s11] =	ssyncadd.s32 $0xFFFEF000  }
.LBB2_4:
0x44: {  	p0 =	sne.s32 s15, $0x0  }
.Ltmp1:
0x45: {  	_ = 	snop;
	(pc) =	sbr.rel @p0 .LBB2_4-.Ltmp1, $4  }
0x46: {  	s17 =	sshra.s32 s15, $0x2  }
0x47: {  	s17 =	sadd.s32 $0x4200, s17  }
0x48: {  	[hbm4b:s16+s1] =	stream.linear.scatter [tilespmem:s17], [sflag:$0x1], $0x10000, $0x38;
	[tilespmem:$0x15200] =	vst v63  }
0x49: {  	s15 =	sadd.s32 $0xFFFFFF00, s15;
	s16 =	sadd.s32 $0x4000, s16  }
0x4a: {  	_ =	swait.ge [sflag:s13], $0x10000  }
0x4b: {  	s15 =	simm.s32 $0x3F;
	[sflag:s13] =	ssyncset.done $0x0  }
.LBB2_6:
0x4c: {  	p0 =	sne.s32 s15, $0x1;
	s15 =	sadd.s32 $0xFFFFFFFF, s15;
	[sflag:s13] =	ssyncadd.s32 $0xFFFF0000  }
.Ltmp2:
0x4d: {  	(pc) =	sbr.rel @p0 .LBB2_6-.Ltmp2, $3  }
0x4e: {  	_ =	sdelay $0x1  }
0x4f: {  	_ =	swait.ge [sflag:s13], $0x10000  }
0x50: {  	[sflag:s13] =	ssyncset.done $0x0  }
0x51: {  	[sflag:s13] =	ssyncadd.s32 $0xFFFF0000  }
0x52: {  	[tilespmem:s12], [sflag:$0x2] =	stream.linear.gather [hbm4b:s7+s1], $0x11000, $0x38;
	[tilespmem:$0x15200] =	vst v63  }
0x53: {  	_ =	swait.ge [sflag:s11], $0x11000  }
0x54: {  	[sflag:s11] =	ssyncset.done $0x0  }
0x55: {  	s15 =	simm.s32 $0x3F00;
	s16 =	smov.u32 s10;
	[sflag:s11] =	ssyncadd.s32 $0xFFFEF000  }
.LBB2_8:
0x56: {  	p0 =	sne.s32 s15, $0x0  }
.Ltmp3:
0x57: {  	_ = 	snop;
	(pc) =	sbr.rel @p0 .LBB2_8-.Ltmp3, $4  }
0x58: {  	s17 =	sshra.s32 s15, $0x2  }
0x59: {  	s17 =	sadd.s32 $0x4200, s17  }
0x5a: {  	[hbm4b:s16+s1] =	stream.linear.scatter [tilespmem:s17], [sflag:$0x1], $0x10000, $0x38;
	[tilespmem:$0x15200] =	vst v63  }
0x5b: {  	s15 =	sadd.s32 $0xFFFFFF00, s15;
	s16 =	sadd.s32 $0x4000, s16  }
0x5c: {  	_ =	swait.ge [sflag:s13], $0x10000  }
0x5d: {  	s15 =	simm.s32 $0x3F;
	[sflag:s13] =	ssyncset.done $0x0  }
.LBB2_10:
0x5e: {  	p0 =	sne.s32 s15, $0x1;
	s15 =	sadd.s32 $0xFFFFFFFF, s15;
	[sflag:s13] =	ssyncadd.s32 $0xFFFF0000  }
.Ltmp4:
0x5f: {  	(pc) =	sbr.rel @p0 .LBB2_10-.Ltmp4, $3  }
0x60: {  	_ =	sdelay $0x1  }
0x61: {  	_ =	swait.ge [sflag:s13], $0x10000  }
0x62: {  	[sflag:s13] =	ssyncset.done $0x0  }
0x63: {  	s14 =	sadd.s32 $0x1, s14  }
0x64: {  	p0 =	sne.s32 s14, s9  }
.Ltmp5:
0x65: {  	_ = 	snop;
	(pc) =	sbr.rel @p0 .LBB2_1-.Ltmp5, $2  }
0x66: {  	_ =	sdelay $0x2  }
0x67: {  	[sflag:s13] =	ssyncadd.s32 $0xFFFF0000  }
0x68: {  	_ =	sfence.sel $0x180000  }
0x69: {  	[bflag:$0x0] =	sbarrier.arrive $0xFFFF  }
0x6a: {  	p0 =	sne.s32 s2, $0x0;
	_ =	strace $0x90000047  }
0x6b: {  	s0 =	sadd.s32 @!p0 $0x100000, s0;
	[bflag:$0x2] =	sbarrier.arrive $0xFFFF  }
0x6c: {  	[sflag:s0] =	ssyncadd.tile.s32 @!p0 $0x1;
	_ =	shalt  }
.Lfunc_end2:
_tile_overlayer_lowered:
.L_overlay_start_2:
0x6d: {  	(tag) =	ssettag $0x2  }
0x6e: {  	s0 =	rddreg [dreg:$0x0];
	s2 =	stileid.u32  }
0x6f: {  	s1 =	rddreg [dreg:$0x1];
	p0 =	sne.s32 s2, $0x0  }
0x70: {  	s3 =	rddreg [dreg:$0x2];
	[bflag:$0x3] =	sbarrier.arrive $0xFFFF;
	s2 =	simm.s32 @!p0 $0x1C02  }
0x71: {  	[timem:s3], [sflag:s2] =	dma.local @!p0 [hbm:s0], s1  }
0x72: {  	s0 =	simm.s32 @!p0 $0x2  }
0x73: {  	_ =	swait.ge @!p0 [sflag:s0], s1  }
0x74: {  	s1 =	ssub.s32 @!p0 $0x0, s1;
	[sflag:s0] =	ssyncset.done @!p0 $0x0  }
0x75: {  	[sflag:s0] =	ssyncadd.s32 @!p0 s1  }
0x76: {  	[bflag:$0x3] =	sbarrier.arrive $0xFFFF  }
0x77: {  	_ =	shalt  }

// kernel: sparse-core-data-format-call.cloned.1.call-start
scs
called_computation_lowered:
.L_overlay_start_0:
0x0: {  	s2 =	sld [smem:$0x3FD9]  }
0x1: {  	s3 =	sld [smem:$0x3FFE];
	_ =	sdelay $0x1  }
0x2: {  	s1 =	srdreg.scid  }
0x3: {  	s0 =	sand.u32 $0x1, s1  }
0x4: {  	s18 =	sshll.u32 s0, $0xA;
	s2 =	sadd.s32 s3, s2  }
0x5: {  	s2 =	sadd.s32 s2, s18  }
0x6: {  	[smem:$0x3FC7] =	sst s2  }
0x7: {  	_ = 	snop  }
0x8: {  	s2 =	sld [smem:$0x3FD0];
	(tm) =	ssettm $0x1  }
0x9: {  	s19 =	sld [smem:$0x3FFB];
	_ =	sdelay $0x3  }
0xa: {  	_ =	strace s19  }
0xb: {  	s3 =	sld [smem:$0x3FFC];
	_ =	sdelay $0x3  }
0xc: {  	_ =	strace s3  }
0xd: {  	s3 =	sld [smem:$0x3FFD];
	_ =	sdelay $0x3  }
0xe: {  	_ =	strace s3  }
0xf: {  	_ =	strace $0x8FFFFFFF  }
0x10: {  	s20 =	sld [smem:$0x3FDB];
	_ =	sdelay $0x1  }
0x11: {  	s4 =	simm.s32 $_scs_section_size  }
0x12: {  	s5 =	simm.s32 $_size__tile_overlayer_lowered;
	s6 =	simm.s32 $_tile_overlayer_lowered  }
0x13: {  	s23 =	simm.s32 $0x1BFF;
	s22 =	sshll.u32 s6, $0x1;
	s3 =	sadd.s32 s4, s20  }
0x14: {  	s7 =	simm.s32 $0x0;
	s21 =	sshll.u32 s5, $0x1;
	s5 =	sadd.s32 s22, s3  }
0x15: {  	[timem:s7], [sflag:s23] =	dma.local [hbm:s5], s21  }
0x16: {  	_ =	swait.ge [sflag:s23], s21  }
0x17: {  	s4 =	ssub.s32 $0x0, s21;
	[sflag:s23] =	ssyncset.done $0x0  }
0x18: {  	[sflag:s23] =	ssyncadd.s32 s4;
	_ =	sdelay $0x1  }
0x19: {  	s24 =	simm.s32 $0x1B8B  }
0x1a: {  	_ =	swait.ge [sflag:s24], $0x1  }
0x1b: {  	[sflag:s24] =	ssyncset.done $0x0  }
0x1c: {  	s26 =	simm.s32 $0x1B8E;
	s25 =	sld [smem:$0x3FFE];
	[sflag:s24] =	ssyncadd.s32 $0xFFFFFFFF  }
0x1d: {  	s27 =	simm.s32 $execute0_lowered;
	[smem:$0x3FD2] =	sst s26  }
0x1e: {  	s5 =	sshll.u32 s27, $0x1;
	_ =	strace $0x80000049;
	[dreg:$0x1] =	wrdreg $0xFFFFFFFF  }
0x1f: {  	s28 =	simm.s32 $_size_execute0_lowered;
	s3 =	sadd.s32 s3, s5;
	[dreg:$0x0] =	wrdreg $0x0  }
0x20: {  	s5 =	sshll.u32 s28, $0x1;
	[dreg:$0x2] =	wrdreg s3  }
0x21: {  	[dreg:$0x3] =	wrdreg s5  }
0x22: {  	[dreg:$0x4] =	wrdreg $0xC0  }
0x23: {  	_ =	task [dreg:s7], $0x5FFFF  }
0x24: {  	[dreg:$0x1] =	wrdreg $0xFFFFFFFF  }
0x25: {  	[dreg:$0x0] =	wrdreg $0x60  }
0x26: {  	[dreg:$0x2] =	wrdreg s25  }
0x27: {  	[dreg:$0x3] =	wrdreg s2  }
0x28: {  	[dreg:$0x4] =	wrdreg $0x9  }
0x29: {  	_ =	task.clear_ibuf [dreg:s7], $0x5FFFF;
	_ =	strace $0x90000049  }
0x2a: {  	s29 =	simm.s32 $0x9;
	_ =	strace $0x8000004B  }
0x2b: {  	_ =	swait.ge [sflag:s29], $0x1  }
0x2c: {  	[sflag:s29] =	ssyncadd.s32 $0xFFFFFFFF  }
0x2d: {  	_ =	strace $0x9000004B  }
0x2e: {  	_ =	sfence  }
0x2f: {  	s30 =	sld [smem:$0x0];
	_ =	sdelay $0x2  }
0x30: {  	s31 =	sshll.u32 s1, $0xD;
	s1 =	sshrl.u32 s1, $0x2  }
0x31: {  	s3 =	sand.u32 $0x4000, s31;
	s1 =	sadd.s32 s1, s30  }
0x32: {  	s0 =	sor.u32 s3, s0;
	s1 =	sshll.u32 s1, $0x11  }
0x33: {  	s0 =	sor.u32 s1, s0  }
0x34: {  	s0 =	sadd.s32 $0x8F2B, s0  }
0x35: {  	[sflag:s0] =	ssyncadd.remote.s32 $0x1  }
0x36: {  	_ =	sfence.sel $0xFFFF  }
0x37: {  	[dreg:$0x0] =	wrdreg $0xFFFFFFFF;
	(pc) =	sbr.abs _section_cstart, $3  }
0x38: {  	[dreg:$0x1] =	wrdreg $0xFFFFFFFF  }
0x39: {  	_ =	task.clear_ibuf [dreg:s7], $0x2FFFF;
	_ =	strace $0x9FFFFFFF  }
0x3a: {  	(tm) =	ssettm $0x7FFFFFFF  }
0x3b: {  	_ =	shalt  }
tec
execute0_lowered:
.L_overlay_start_1:
0x0: {  	(tag) =	ssettag $0x1  }
0x1: {  	s0 =	srdreg.scid  }
0x2: {  	s7 =	rddreg [dreg:$0x0];
	s1 =	sshll.u32 s0, $0x4  }
0x3: {  	s3 =	rddreg [dreg:$0x1];
	s0 =	stileid.u32;
	s1 =	sand.u32 $0x10, s1  }
0x4: {  	s6 =	simm.s32 $0x1;
	s31 =	simm.s32 $0x2;
	s1 =	sor.u32 s0, s1  }
0x5: {  	s13 =	simm.s32 $0x0;
	s9 =	simm.s32 $0x4000;
	s2 =	sshll.u32 s1, $0x1  }
0x6: {  	s14 =	simm.s32 $0x0;
	s10 =	simm.s32 $0x0;
	s4 =	ssub.s32 $0x800, s2  }
0x7: {  	s12 =	simm.s32 $0x0;
	s1 =	rddreg [dreg:$0x2];
	s5 =	sand.u32 $0x3E, s4  }
.Ltmp0:
0x8: {  	_ =	strace $0x8000004A;
	p0 =	sne.s32 s5, $0x0;
	(pc) =	sbr.rel .LBB1_1-.Ltmp0, $4  }
0x9: {  	s11 =	smov.u32 s2;
	s8 =	sshrl.u32 s4, $0x6;
	s6 =	simm.s32 @!p0 $0x0  }
0xa: {  	s4 =	sadd.s32 $0xC00, s7;
	s5 =	simm.s32 $0x1;
	s6 =	sadd.s32 s6, s8  }
0xb: {  	s7 =	sadd.s32 $0x8C00, s7;
	[sflag:s5] =	ssyncpa.u1 $0x0;
	s6 =	sshll.u32 s6, $0x4  }
0xc: {  	p0 =	por $0x0, $0x0;
	[sflag:s31] =	ssyncpa.u1 $0x0;
	s8 =	sor.u32 $0x1, s6  }
.LBB1_7:
0xd: {  	s15 =	sadd.s32 $0x80, s10  }
0xe: {  	s13 =	sadd.s32 $0x40, s11;
	s17 =	smov.u32 s11;
	p2 =	sgt.s32 s15, $0x7FF  }
0xf: {  	s17 =	smov.u32 @p2 s13  }
0x10: {  	s15 =	simm.s32 @p2 $0x0;
	p2 =	sgt.s32 s17, $0x7FF  }
0x11: {  	s17 =	smov.u32 @p2 s2;
	p2 =	sne.s32 s12, s8  }
.Ltmp1:
0x12: {  	p1 =	slt.u32 s12, $0x2;
	(pc) =	sbr.rel @!p2 .LBB1_8-.Ltmp1, $4  }
0x13: {  	s16 =	simm.s32 @!p1 $0x2  }
0x14: {  	s14 =	smov.u32 s11;
	p0 =	por !p0, !p0;
	_ =	swait.ge @!p1 [sflag:s16], $0x4000  }
0x15: {  	s13 =	smov.u32 s10;
	[sflag:s16] =	ssyncset.done @!p1 $0x0;
	s10 =	smov.u32 s15  }
0x16: {  	s12 =	sadd.s32 $0x1, s12;
	[sflag:s16] =	ssyncadd.s32 @!p1 $0xFFFFC000;
	s11 =	smov.u32 s17  }
.LBB1_1:
0x17: {  	p1 =	sge.u32 s12, s6  }
0x18: {  	s15 =	sxor.u32 @!p1 $0xFFFFFFFF, s12;
	s16 =	sshll.u32 @!p1 s11, $0xF  }
0x19: {  	s17 =	sshll.u32 @!p1 s10, $0x4;
	s19 =	simm.s32 @!p1 $0x40;
	s20 =	simm.s32 @!p1 $0x80  }
0x1a: {  	s15 =	sshll.u32 @!p1 s15, $0xE;
	s17 =	sand.u32 @!p1 $0x7FF0, s17;
	s18 =	sadd.s32 @!p1 s4, s16  }
0x1b: {  	s16 =	sadd.s32 @!p1 s16, s7;
	s15 =	sand.u32 @!p1 $0x4000, s15;
	s18 =	sadd.s32 @!p1 s17, s18  }
0x1c: {  	[tilespmem:s15], [sflag:$0x1] =	stream.strided.gather @!p1 [hbm4b:s18+s19], $0x2000, s20, s19, $0x38;
	[tilespmem:$0x10100] =	vst v63  }
0x1d: {  	s31 =	sadd.s32 $0xFFFFFFFF, s12;
	s16 =	sadd.s32 @!p1 s17, s16;
	s15 =	sor.u32 @!p1 $0x2000, s15  }
0x1e: {  	[tilespmem:s15], [sflag:$0x1] =	stream.strided.gather @!p1 [hbm4b:s16+s19], $0x2000, s20, s19, $0x38;
	[tilespmem:$0x10100] =	vst v63  }
0x1f: {  	p1 =	sge.u32 s31, s6  }
.Ltmp2:
0x20: {  	_ = 	snop;
	(pc) =	sbr.rel @p1 .LBB1_7-.Ltmp2, $1  }
0x21: {  	_ =	sdelay $0x3  }
0x22: {  	s15 =	simm.s32 $0x1;
	s17 =	sand.u32 $0x1, s12  }
0x23: {  	_ =	swait.ge [sflag:s5], $0x4000;
	s15 =	simm.s32 @!p0 $0x0;
	s17 =	smul.u32 $0x10200, s17  }
0x24: {  	p2 =	por $0x1, $0x1;
	[sflag:s5] =	ssyncset.done $0x0;
	s16 =	smul.u32 $0x10200, s15  }
0x25: {  	s18 =	sshll.u32 s15, $0x10;
	[sflag:s5] =	ssyncadd.s32 $0xFFFFC000;
	s30 =	sshrl.u32 s17, $0x2  }
0x26: {  	s31 =	sshrl.u32 s18, $0x2;
	s18 =	simm.s32 $0x0;
	s16 =	sshrl.u32 s16, $0x2  }
0x27: {  	s15 =	sor.u32 $0x8000, s30;
	s17 =	sadd.s32 $0x20, s31;
	s16 =	sor.u32 $0x8000, s16  }
.LBB1_3:
0x28: {  	s19 =	sshll.u32 s18, $0xD  }
0x29: {  	s19 =	sand.u32 $0x3FFFE000, s19  }
0x2a: {  	s21 =	sadd.s32 s19, s17  }
0x2b: {  	s31 =	smul.u32 $0x8100, s18;
	v3 =	vld [tilespmem:s21+$0x10]  }
0x2c: {  	v1 =	vld [tilespmem:s21+$0xFFFFFFF0]  }
0x2d: {  	s18 =	sshra.s32 s31, $0x2;
	v0 =	vld [tilespmem:s21+$0x0]  }
0x2e: {  	s18 =	sadd.s32 s18, s16;
	v2 =	vld [tilespmem:s21+$0xFFFFFFE0]  }
0x2f: {  	s19 =	sadd.s32 $0x0, s18  }
0x30: {  	p1 =	por p2, p2;
	s20 =	simm.s32 $0x4;
	s21 =	sadd.s32 $0x40, s21;
	[tilespmem:s19+$0x1830 ss:$0x81] =	vst.msk $0xffff, v3  }
.LBB1_4:
0x31: {  	v3 =	vld [tilespmem:s21+$0x10];
	p2 =	sne.s32 s20, $0x1FC;
	[tilespmem:s19+$0x810 ss:$0x81] =	vst.msk $0xffff, v1;
	s22 =	smov.u32 s20;
	s20 =	sadd.s32 $0x4, s20  }
.Ltmp3:
0x32: {  	v1 =	vld [tilespmem:s21+$0xFFFFFFF0];
	[tilespmem:s19+$0x1020 ss:$0x81] =	vst.msk $0xffff, v0;
	(pc) =	sbr.rel @p2 .LBB1_4-.Ltmp3, $4  }
0x33: {  	v0 =	vld [tilespmem:s21+$0x0];
	[tilespmem:s19+$0x0 ss:$0x81] =	vst.msk $0xffff, v2  }
0x34: {  	s19 =	sshra.s32 s22, $0x2;
	v2 =	vld [tilespmem:s21+$0xFFFFFFE0]  }
0x35: {  	s19 =	sadd.s32 s19, s18  }
0x36: {  	s21 =	sadd.s32 $0x40, s21;
	[tilespmem:s19+$0x1830 ss:$0x81] =	vst.msk $0xffff, v3  }
.Ltmp4:
0x37: {  	(pc) =	sbr.rel @p1 .LBB1_3-.Ltmp4, $4  }
0x38: {  	_ = 	snop  }
0x39: {  	[tilespmem:s19+$0x810 ss:$0x81] =	vst.msk $0xffff, v1  }
0x3a: {  	[tilespmem:s19+$0x1020 ss:$0x81] =	vst.msk $0xffff, v0  }
0x3b: {  	s18 =	simm.s32 $0x1;
	p2 =	por $0x0, $0x0;
	[tilespmem:s19+$0x0 ss:$0x81] =	vst.msk $0xffff, v2  }
0x3c: {  	s16 =	sshll.u32 s13, $0x3;
	s17 =	sand.u32 $0x78, s13;
	s14 =	sshll.u32 s14, $0xE  }
.Ltmp5:
0x3d: {  	s30 =	sand.u32 $0x3F00, s13;
	s16 =	sand.u32 $0x400, s16;
	(pc) =	sbr.rel .LBB1_7-.Ltmp5, $4  }
0x3e: {  	s31 =	sand.u32 $0x7, s13;
	s14 =	sadd.s32 s3, s14;
	s16 =	sor.u32 s17, s16  }
0x3f: {  	s13 =	sshll.u32 s31, $0x12;
	s14 =	sadd.s32 s30, s14;
	s16 =	sshrl.u32 s16, $0x3  }
0x40: {  	s13 =	sor.u32 $0x400, s13;
	s14 =	sadd.s32 s16, s14  }
0x41: {  	[hbm4b:s14+s13] =	stream.strided.scatter [tilespmem:s15], [sflag:$0x2], $0x4000, s9, s13, $0x20;
	[tilespmem:$0x10100] =	vst v63  }
.LBB1_8:
0x42: {  	_ =	sfence.sel $0x180000  }
0x43: {  	s2 =	simm.s32 $0x1;
	[bflag:$0x0] =	sbarrier.arrive $0xFFFF  }
0x44: {  	s31 =	simm.s32 $0x2;
	[sflag:s2] =	ssyncpa.u1 $0x1  }
0x45: {  	[sflag:s31] =	ssyncpa.u1 $0x1  }
0x46: {  	p0 =	sne.s32 s0, $0x0;
	_ =	strace $0x9000004A  }
0x47: {  	s0 =	sadd.s32 @!p0 $0x100000, s1;
	[bflag:$0x2] =	sbarrier.arrive $0xFFFF  }
0x48: {  	[sflag:s0] =	ssyncadd.tile.s32 @!p0 $0x1;
	_ =	shalt  }
.Lfunc_end1:
_tile_overlayer_lowered:
.L_overlay_start_2:
0x49: {  	(tag) =	ssettag $0x2  }
0x4a: {  	s0 =	rddreg [dreg:$0x0];
	s2 =	stileid.u32  }
0x4b: {  	s1 =	rddreg [dreg:$0x1];
	p0 =	sne.s32 s2, $0x0  }
0x4c: {  	s3 =	rddreg [dreg:$0x2];
	[bflag:$0x3] =	sbarrier.arrive $0xFFFF;
	s2 =	simm.s32 @!p0 $0x1C01  }
0x4d: {  	[timem:s3], [sflag:s2] =	dma.local @!p0 [hbm:s0], s1  }
0x4e: {  	s0 =	simm.s32 @!p0 $0x1  }
0x4f: {  	_ =	swait.ge @!p0 [sflag:s0], s1  }
0x50: {  	s1 =	ssub.s32 @!p0 $0x0, s1;
	[sflag:s0] =	ssyncset.done @!p0 $0x0  }
0x51: {  	[sflag:s0] =	ssyncadd.s32 @!p0 s1  }
0x52: {  	[bflag:$0x3] =	sbarrier.arrive $0xFFFF  }
0x53: {  	_ =	shalt  }

</sc_bundles>
